<compile_context>
chip_gen: v7x
topology: tpu7x:2x2x1
jax: 0.10.2.dev20260603
libtpu: 0.0.44.dev20260713+nightly
codegen_flags: <defaults>
</compile_context>

<pallas_src>
import dataclasses

import jax
import jax.numpy as jnp
from jax import lax
from jax.experimental import pallas as pl
from jax.experimental.pallas import tpu as pltpu
from jax.experimental.pallas import tpu_sc as plsc

BSZ, SEQ, DIM = 4, 2048, 1024
OUT = 3 * DIM
POOL, TOPK, RANK = 8, 2, 16
ALPHA = 16
SCALE = ALPHA / RANK

TS = 512
KB = 40

A_LEN = DIM * 2 * RANK
B_LEN = RANK * DIM
BIAS_PAD = 4096
ROW = A_LEN + 2 * B_LEN + BIAS_PAD
NLANE = 16
NGRP = 8
CHUNK = ROW // NGRP
UNROLL = 8


def _sc_merge_body(idx_hbm, attn_hbm, pool_hbm, m_hbm,
                   idx_v, attn_v, buf0, buf1, obuf, sem0, sem1):
    w = lax.axis_index("c") * 16 + lax.axis_index("s")
    b = w // NGRP
    g = w % NGRP
    pltpu.sync_copy(idx_hbm.at[pl.ds(b * (TOPK * NLANE), TOPK * NLANE)], idx_v)
    pltpu.sync_copy(attn_hbm.at[pl.ds(b * (TOPK * NLANE), TOPK * NLANE)], attn_v)
    i0 = jnp.max(idx_v.at[pl.ds(0, NLANE)][...])
    i1 = jnp.max(idx_v.at[pl.ds(NLANE, NLANE)][...])
    w0 = attn_v.at[pl.ds(0, NLANE)][...]
    w1 = attn_v.at[pl.ds(NLANE, NLANE)][...]
    c0 = pltpu.async_copy(pool_hbm.at[pl.ds(i0 * ROW + g * CHUNK, CHUNK)],
                          buf0, sem0)
    c1 = pltpu.async_copy(pool_hbm.at[pl.ds(i1 * ROW + g * CHUNK, CHUNK)],
                          buf1, sem1)
    c0.wait()
    c1.wait()

    @pl.loop(0, CHUNK, step=NLANE * UNROLL)
    def _(c):
        for j in range(UNROLL):
            s = pl.ds(c + j * NLANE, NLANE)
            obuf.at[s][...] = w0 * buf0.at[s][...] + w1 * buf1.at[s][...]

    pltpu.sync_copy(obuf, m_hbm.at[pl.ds(w * CHUNK, CHUNK)])


def _sc_merge(idx2, attn2, pool_flat):
    mesh = plsc.VectorSubcoreMesh(core_axis_name="c", subcore_axis_name="s")
    cp = pltpu.CompilerParams()
    if "needs_layout_passes" in pltpu.CompilerParams.__dataclass_fields__:
        cp = dataclasses.replace(cp, needs_layout_passes=False)
    k = pl.kernel(
        _sc_merge_body,
        out_type=jax.ShapeDtypeStruct((BSZ * ROW,), jnp.float32),
        mesh=mesh,
        compiler_params=cp,
        scratch_types=[
            pltpu.VMEM((TOPK * NLANE,), jnp.int32),
            pltpu.VMEM((TOPK * NLANE,), jnp.float32),
            pltpu.VMEM((CHUNK,), jnp.float32),
            pltpu.VMEM((CHUNK,), jnp.float32),
            pltpu.VMEM((CHUNK,), jnp.float32),
            pltpu.SemaphoreType.DMA,
            pltpu.SemaphoreType.DMA,
        ],
    )
    return k(idx2, attn2, pool_flat)


def _tc_body(x_ref, wt_ref, wa_ref, wb_ref, bias_ref, o_ref, weff_ref):
    @pl.when(pl.program_id(1) == 0)
    def _():
        wa = wa_ref[0].astype(jnp.bfloat16)
        wb = wb_ref[0].astype(jnp.bfloat16)
        delta = jnp.dot(wa, wb, preferred_element_type=jnp.float32)
        weff_ref[...] = (wt_ref[...].astype(jnp.float32) + delta
                         ).astype(jnp.bfloat16)

    x = x_ref[0].astype(jnp.bfloat16)
    acc = jnp.dot(x, weff_ref[...], preferred_element_type=jnp.float32)
    o_ref[0] = acc + bias_ref[0]


def _fused_qkv(x, wt, wa, wb, bias_comb):
    return pl.pallas_call(
        _tc_body,
        grid=(BSZ, SEQ // TS),
        in_specs=[
            pl.BlockSpec((1, TS, DIM), lambda b, s: (b, s, 0)),
            pl.BlockSpec((DIM, OUT), lambda b, s: (0, 0)),
            pl.BlockSpec((1, DIM, 2 * RANK), lambda b, s: (b, 0, 0)),
            pl.BlockSpec((1, 2 * RANK, OUT), lambda b, s: (b, 0, 0)),
            pl.BlockSpec((1, 1, OUT), lambda b, s: (b, 0, 0)),
        ],
        out_specs=pl.BlockSpec((1, TS, OUT), lambda b, s: (b, s, 0)),
        out_shape=jax.ShapeDtypeStruct((BSZ, SEQ, OUT), jnp.float32),
        scratch_shapes=[pltpu.VMEM((DIM, OUT), jnp.bfloat16)],
        compiler_params=pltpu.CompilerParams(
            dimension_semantics=("parallel", "arbitrary"),
        ),
    )(x, wt, wa, wb, bias_comb)


def kernel(x, attn, idx, weight, bias, A_q_pool, B_q_pool, A_v_pool, B_v_pool, bias_pool):
    pool_flat = jnp.concatenate([
        jnp.concatenate([A_q_pool, A_v_pool], axis=2).reshape(POOL, A_LEN),
        (SCALE * B_q_pool).reshape(POOL, B_LEN),
        (SCALE * B_v_pool).reshape(POOL, B_LEN),
        jnp.pad(SCALE * bias_pool + bias, ((0, 0), (0, BIAS_PAD - OUT))),
    ], axis=1).reshape(-1)
    idx2 = jnp.repeat(idx.astype(jnp.int32).reshape(-1), NLANE)
    attn2 = jnp.repeat(attn.reshape(-1), NLANE)

    m = _sc_merge(idx2, attn2, pool_flat).reshape(BSZ, ROW)
    wa = m[:, :A_LEN].reshape(BSZ, DIM, 2 * RANK)
    wbq = m[:, A_LEN:A_LEN + B_LEN].reshape(BSZ, RANK, DIM)
    wbv = m[:, A_LEN + B_LEN:A_LEN + 2 * B_LEN].reshape(BSZ, RANK, DIM)
    brow = m[:, A_LEN + 2 * B_LEN:A_LEN + 2 * B_LEN + OUT][:, None, :]
    wb = jnp.concatenate([
        jnp.pad(wbq, ((0, 0), (0, 0), (0, 2 * DIM))),
        jnp.pad(wbv, ((0, 0), (0, 0), (2 * DIM, 0))),
    ], axis=1)
    wt = weight.T.astype(jnp.bfloat16)
    return _fused_qkv(x, wt, wa, wb, brow)

# --- scband reference (transcript-rebuilt; emitter-appended) ---
"""Pipeline reference for scband-mo-elo-raqkv-3805341024605 (READ-ONLY COPY).

The authoritative reference and input builder live on the scoring server;
editing this copy changes nothing except your own understanding.
"""

import jax, jax.numpy as jnp
import numpy as np

BSZ, SEQ, DIM = 4, 2048, 1024
POOL, TOPK, RANK = 8, 2, 16
ALPHA = 16
SCALE = ALPHA / RANK


def setup_inputs(seed: int = 0) -> dict:
    key = jax.random.key(seed)
    ks = jax.random.split(key, 11)
    x = jax.random.normal(ks[0], (BSZ, SEQ, DIM), dtype=jnp.float32)
    attn = jax.random.uniform(ks[1], (BSZ, TOPK), dtype=jnp.float32)
    attn = attn / jnp.sum(attn, axis=-1, keepdims=True)
    idx = jax.random.randint(ks[2], (BSZ, TOPK), 0, POOL).astype(jnp.int64)
    # frozen base qkv projection weights (nn.Linear(dim, 3*dim))
    weight = jax.random.normal(ks[3], (3 * DIM, DIM), dtype=jnp.float32) / np.sqrt(DIM)
    bias = jax.random.normal(ks[4], (3 * DIM,), dtype=jnp.float32) * 0.02
    # LoRA pools. A: kaiming-uniform-like; B: small random (torch inits B to zeros,
    # which would make the LoRA branch a no-op numerically, so we use small values
    # to keep the computation nontrivial while structurally identical).
    bound = 1.0 / np.sqrt(DIM)
    A_q_pool = jax.random.uniform(ks[5], (POOL, DIM, RANK), minval=-bound, maxval=bound, dtype=jnp.float32)
    A_v_pool = jax.random.uniform(ks[6], (POOL, DIM, RANK), minval=-bound, maxval=bound, dtype=jnp.float32)
    B_q_pool = jax.random.normal(ks[7], (POOL, RANK, DIM), dtype=jnp.float32) * 0.02
    B_v_pool = jax.random.normal(ks[8], (POOL, RANK, DIM), dtype=jnp.float32) * 0.02
    bias_pool = jax.random.normal(ks[9], (POOL, 3 * DIM), dtype=jnp.float32) * 0.02
    return {
        "x": x, "attn": attn, "idx": idx,
        "weight": weight, "bias": bias,
        "A_q_pool": A_q_pool, "B_q_pool": B_q_pool,
        "A_v_pool": A_v_pool, "B_v_pool": B_v_pool,
        "bias_pool": bias_pool,
    }


def reference(x, attn, idx, weight, bias, A_q_pool, B_q_pool, A_v_pool, B_v_pool, bias_pool):
    # base frozen qkv projection: F.linear(x, weight, bias)
    qkv = jnp.einsum('bni,oi->bno', x, weight) + bias
    # set_attentions with merge_AB == 'weight' (eval mode, dropout=0, no frozen experts):
    # gather per-token-group expert matrices and merge by routing weights
    A_q = jnp.take(A_q_pool, idx, axis=0)  # [b, k, dim, rank]
    B_q = jnp.take(B_q_pool, idx, axis=0)  # [b, k, rank, dim]
    A_v = jnp.take(A_v_pool, idx, axis=0)
    B_v = jnp.take(B_v_pool, idx, axis=0)
    wA_q = jnp.einsum('bkir,bk->bir', A_q, attn)
    wB_q = jnp.einsum('bkro,bk->bro', B_q, attn)
    wA_v = jnp.einsum('bkir,bk->bir', A_v, attn)
    wB_v = jnp.einsum('bkro,bk->bro', B_v, attn)
    b_g = jnp.take(bias_pool, idx, axis=0)  # [b, k, 3*dim]
    w_bias = jnp.einsum('bko,bk->bo', b_g, attn)[:, None, :]  # [b, 1, 3*dim]
    # forward LoRA branch ('weight' merge)
    new_q = jnp.einsum('bni,bir,brj->bnj', x, wA_q, wB_q)
    new_v = jnp.einsum('bni,bir,brj->bnj', x, wA_v, wB_v)
    qkv = qkv.at[..., :DIM].add(SCALE * new_q)
    qkv = qkv.at[..., -DIM:].add(SCALE * new_v)
    qkv = qkv + SCALE * w_bias
    return qkv

if __name__ == "__main__":
    import jax
    _d = setup_inputs()
    print(jax.jit(kernel)(*tuple(_d.values())))

</pallas_src>

<mosaic_0001>
#map = affine_map<(d0, d1) -> (0)>
module attributes {stable_mosaic.version = 14 : i64} {
  func.func @_sc_merge_body(%arg0: i32, %arg1: i32, %arg2: memref<128xi32, #tpu.memory_space<hbm>>, %arg3: memref<128xf32, #tpu.memory_space<hbm>>, %arg4: memref<557056xf32, #tpu.memory_space<hbm>>, %arg5: memref<278528xf32, #tpu.memory_space<hbm>>, %arg6: memref<32xi32, #tpu.memory_space<vmem>>, %arg7: memref<32xf32, #tpu.memory_space<vmem>>, %arg8: memref<8704xf32, #tpu.memory_space<vmem>>, %arg9: memref<8704xf32, #tpu.memory_space<vmem>>, %arg10: memref<8704xf32, #tpu.memory_space<vmem>>, %arg11: memref<!tpu.dma_semaphore, #tpu.memory_space<semaphore_mem>>, %arg12: memref<!tpu.dma_semaphore, #tpu.memory_space<semaphore_mem>>) attributes {dimension_semantics = [#tpu.dimension_semantics<core_parallel>, #tpu.dimension_semantics<subcore_parallel>], iteration_bounds = array<i64: 2, 16>, scalar_prefetch = 0 : i64, scratch_operands = 7 : i64, tpu.core_type = #tpu.core_type<sc_vector_subcore>, window_params = [{transform_indices = #map}, {transform_indices = #map}, {transform_indices = #map}, {transform_indices = #map}]} {
    %mul3A = arith.constant 16 : i32
    %mul3A_0 = arith.muli %arg0, %mul3A : i32
    %add3A = arith.addi %mul3A_0, %arg1 : i32
    %jit3A = arith.constant 8 : i32
    %div3A = arith.divsi %add3A, %jit3A : i32
    %sign3A = arith.constant 0 : i32
    %sign3A_1 = arith.cmpi sgt, %add3A, %sign3A : i32
    %sign3A_2 = arith.extui %sign3A_1 : i1 to i32
    %sign3A_3 = arith.constant 0 : i32
    %sign3A_4 = arith.cmpi slt, %add3A, %sign3A_3 : i32
    %sign3A_5 = arith.extui %sign3A_4 : i1 to i32
    %sign3A_6 = arith.subi %sign3A_2, %sign3A_5 : i32
    %sign3A_7 = arith.constant 0 : i32
    %sign3A_8 = arith.cmpi sgt, %jit3A, %sign3A_7 : i32
    %sign3A_9 = arith.extui %sign3A_8 : i1 to i32
    %sign3A_10 = arith.constant 0 : i32
    %sign3A_11 = arith.cmpi slt, %jit3A, %sign3A_10 : i32
    %sign3A_12 = arith.extui %sign3A_11 : i1 to i32
    %sign3A_13 = arith.subi %sign3A_9, %sign3A_12 : i32
    %ne3A = arith.cmpi ne, %sign3A_6, %sign3A_13 : i32
    %rem3A = arith.remsi %add3A, %jit3A : i32
    %ne3A_14 = arith.constant 0 : i32
    %ne3A_15 = arith.cmpi ne, %rem3A, %ne3A_14 : i32
    %and3A = arith.andi %ne3A, %ne3A_15 : i1
    %sub3A = arith.constant 1 : i32
    %sub3A_16 = arith.subi %div3A, %sub3A : i32
    %select_n3A = arith.select %and3A, %sub3A_16, %div3A : i32
    %jit3A_17 = arith.constant 8 : i32
    %eq3A = arith.constant 0 : i32
    %eq3A_18 = arith.cmpi eq, %jit3A_17, %eq3A : i32
    %jit3A_19 = arith.constant 1 : i32
    %select_n3A_20 = arith.select %eq3A_18, %jit3A_19, %jit3A_17 : i32
    %rem3A_21 = arith.remsi %add3A, %select_n3A_20 : i32
    %ne3A_22 = arith.constant 0 : i32
    %ne3A_23 = arith.cmpi ne, %rem3A_21, %ne3A_22 : i32
    %lt3A = arith.constant 0 : i32
    %lt3A_24 = arith.cmpi slt, %rem3A_21, %lt3A : i32
    %lt3A_25 = arith.constant 0 : i32
    %lt3A_26 = arith.cmpi slt, %select_n3A_20, %lt3A_25 : i32
    %ne3A_27 = arith.xori %lt3A_24, %lt3A_26 : i1
    %and3A_28 = arith.andi %ne3A_27, %ne3A_23 : i1
    %add3A_29 = arith.addi %rem3A_21, %select_n3A_20 : i32
    %select_n3A_30 = arith.select %and3A_28, %add3A_29, %rem3A_21 : i32
    %mul3A_31 = arith.constant 32 : i32
    %mul3A_32 = arith.muli %select_n3A, %mul3A_31 : i32
    "tpu.region"() ({
      %run_scoped3A = tpu.sem_alloc : memref<!tpu.dma_semaphore, #tpu.memory_space<semaphore_mem>>
      %dma_start3A_79 = tpu.memref_slice %arg2[%mul3A_32] : memref<128xi32, #tpu.memory_space<hbm>> -> memref<32xi32, #tpu.memory_space<hbm>>
      %dma_start3A_80 = tpu.memref_slice %arg2[%mul3A_32] : memref<128xi32, #tpu.memory_space<hbm>> -> memref<32xi32, #tpu.memory_space<hbm>>
      tpu.enqueue_dma source(%dma_start3A_80 : memref<32xi32, #tpu.memory_space<hbm>>) target(%arg6 : memref<32xi32, #tpu.memory_space<vmem>>) target_semaphore(%run_scoped3A : memref<!tpu.dma_semaphore, #tpu.memory_space<semaphore_mem>>)
      %dma_wait3A_81 = tpu.memref_slice %arg2[%mul3A_32] : memref<128xi32, #tpu.memory_space<hbm>> -> memref<32xi32, #tpu.memory_space<hbm>>
      %dma_wait3A_82 = tpu.memref_slice %arg2[%mul3A_32] : memref<128xi32, #tpu.memory_space<hbm>> -> memref<32xi32, #tpu.memory_space<hbm>>
      tpu.wait_dma2 semaphore(%run_scoped3A : memref<!tpu.dma_semaphore, #tpu.memory_space<semaphore_mem>>) src(%dma_wait3A_82 : memref<32xi32, #tpu.memory_space<hbm>>) dst(%arg6 : memref<32xi32, #tpu.memory_space<vmem>>)
      tpu.yield
    }) : () -> ()
    %mul3A_33 = arith.constant 32 : i32
    %mul3A_34 = arith.muli %select_n3A, %mul3A_33 : i32
    "tpu.region"() ({
      %run_scoped3A = tpu.sem_alloc : memref<!tpu.dma_semaphore, #tpu.memory_space<semaphore_mem>>
      %dma_start3A_79 = tpu.memref_slice %arg3[%mul3A_34] : memref<128xf32, #tpu.memory_space<hbm>> -> memref<32xf32, #tpu.memory_space<hbm>>
      %dma_start3A_80 = tpu.memref_slice %arg3[%mul3A_34] : memref<128xf32, #tpu.memory_space<hbm>> -> memref<32xf32, #tpu.memory_space<hbm>>
      tpu.enqueue_dma source(%dma_start3A_80 : memref<32xf32, #tpu.memory_space<hbm>>) target(%arg7 : memref<32xf32, #tpu.memory_space<vmem>>) target_semaphore(%run_scoped3A : memref<!tpu.dma_semaphore, #tpu.memory_space<semaphore_mem>>)
      %dma_wait3A_81 = tpu.memref_slice %arg3[%mul3A_34] : memref<128xf32, #tpu.memory_space<hbm>> -> memref<32xf32, #tpu.memory_space<hbm>>
      %dma_wait3A_82 = tpu.memref_slice %arg3[%mul3A_34] : memref<128xf32, #tpu.memory_space<hbm>> -> memref<32xf32, #tpu.memory_space<hbm>>
      tpu.wait_dma2 semaphore(%run_scoped3A : memref<!tpu.dma_semaphore, #tpu.memory_space<semaphore_mem>>) src(%dma_wait3A_82 : memref<32xf32, #tpu.memory_space<hbm>>) dst(%arg7 : memref<32xf32, #tpu.memory_space<vmem>>)
      tpu.yield
    }) : () -> ()
    %get3A = arith.constant 0 : index
    %get3A_35 = tpu.vector_load %arg6[%get3A] {strides = array<i32>} : memref<32xi32, #tpu.memory_space<vmem>>, vector<16xi32>,
    %reduce_max3A = arith.constant true
    %reduce_max3A_36 = vector.broadcast %reduce_max3A : i1 to vector<16xi1>
    %reduce_max3A_37 = arith.constant -2147483648 : i32
    %reduce_max3A_38 = vector.broadcast %reduce_max3A_37 : i32 to vector<16xi32>
    %reduce_max3A_39 = arith.xori %get3A_35, %reduce_max3A_38 : vector<16xi32>
    %reduce_max3A_40 = tpu.scan <max>, %reduce_max3A_39 masked %reduce_max3A_36 : vector<16xi32>, vector<16xi1> -> vector<16xi32>
    %reduce_max3A_41 = arith.xori %reduce_max3A_40, %reduce_max3A_38 : vector<16xi32>
    %reduce_max3A_42 = vector.extract %reduce_max3A_41[15] : i32 from vector<16xi32>
    %get3A_43 = arith.constant 16 : index
    %get3A_44 = tpu.vector_load %arg6[%get3A_43] {strides = array<i32>} : memref<32xi32, #tpu.memory_space<vmem>>, vector<16xi32>,
    %reduce_max3A_45 = arith.constant true
    %reduce_max3A_46 = vector.broadcast %reduce_max3A_45 : i1 to vector<16xi1>
    %reduce_max3A_47 = arith.constant -2147483648 : i32
    %reduce_max3A_48 = vector.broadcast %reduce_max3A_47 : i32 to vector<16xi32>
    %reduce_max3A_49 = arith.xori %get3A_44, %reduce_max3A_48 : vector<16xi32>
    %reduce_max3A_50 = tpu.scan <max>, %reduce_max3A_49 masked %reduce_max3A_46 : vector<16xi32>, vector<16xi1> -> vector<16xi32>
    %reduce_max3A_51 = arith.xori %reduce_max3A_50, %reduce_max3A_48 : vector<16xi32>
    %reduce_max3A_52 = vector.extract %reduce_max3A_51[15] : i32 from vector<16xi32>
    %get3A_53 = arith.constant 0 : index
    %get3A_54 = tpu.vector_load %arg7[%get3A_53] {strides = array<i32>} : memref<32xf32, #tpu.memory_space<vmem>>, vector<16xf32>,
    %get3A_55 = arith.constant 16 : index
    %get3A_56 = tpu.vector_load %arg7[%get3A_55] {strides = array<i32>} : memref<32xf32, #tpu.memory_space<vmem>>, vector<16xf32>,
    %mul3A_57 = arith.constant 69632 : i32
    %mul3A_58 = arith.muli %reduce_max3A_42, %mul3A_57 : i32
    %mul3A_59 = arith.constant 8704 : i32
    %mul3A_60 = arith.muli %select_n3A_30, %mul3A_59 : i32
    %add3A_61 = arith.addi %mul3A_58, %mul3A_60 : i32
    %dma_start3A = tpu.memref_slice %arg4[%add3A_61] : memref<557056xf32, #tpu.memory_space<hbm>> -> memref<8704xf32, #tpu.memory_space<hbm>>
    %dma_start3A_62 = tpu.memref_slice %arg4[%add3A_61] : memref<557056xf32, #tpu.memory_space<hbm>> -> memref<8704xf32, #tpu.memory_space<hbm>>
    tpu.enqueue_dma source(%dma_start3A_62 : memref<8704xf32, #tpu.memory_space<hbm>>) target(%arg8 : memref<8704xf32, #tpu.memory_space<vmem>>) target_semaphore(%arg11 : memref<!tpu.dma_semaphore, #tpu.memory_space<semaphore_mem>>)
    %mul3A_63 = arith.constant 69632 : i32
    %mul3A_64 = arith.muli %reduce_max3A_52, %mul3A_63 : i32
    %mul3A_65 = arith.constant 8704 : i32
    %mul3A_66 = arith.muli %select_n3A_30, %mul3A_65 : i32
    %add3A_67 = arith.addi %mul3A_64, %mul3A_66 : i32
    %dma_start3A_68 = tpu.memref_slice %arg4[%add3A_67] : memref<557056xf32, #tpu.memory_space<hbm>> -> memref<8704xf32, #tpu.memory_space<hbm>>
    %dma_start3A_69 = tpu.memref_slice %arg4[%add3A_67] : memref<557056xf32, #tpu.memory_space<hbm>> -> memref<8704xf32, #tpu.memory_space<hbm>>
    tpu.enqueue_dma source(%dma_start3A_69 : memref<8704xf32, #tpu.memory_space<hbm>>) target(%arg9 : memref<8704xf32, #tpu.memory_space<vmem>>) target_semaphore(%arg12 : memref<!tpu.dma_semaphore, #tpu.memory_space<semaphore_mem>>)
    %dma_wait3A = tpu.memref_slice %arg4[%add3A_61] : memref<557056xf32, #tpu.memory_space<hbm>> -> memref<8704xf32, #tpu.memory_space<hbm>>
    %dma_wait3A_70 = tpu.memref_slice %arg4[%add3A_61] : memref<557056xf32, #tpu.memory_space<hbm>> -> memref<8704xf32, #tpu.memory_space<hbm>>
    tpu.wait_dma2 semaphore(%arg11 : memref<!tpu.dma_semaphore, #tpu.memory_space<semaphore_mem>>) src(%dma_wait3A_70 : memref<8704xf32, #tpu.memory_space<hbm>>) dst(%arg8 : memref<8704xf32, #tpu.memory_space<vmem>>)
    %dma_wait3A_71 = tpu.memref_slice %arg4[%add3A_67] : memref<557056xf32, #tpu.memory_space<hbm>> -> memref<8704xf32, #tpu.memory_space<hbm>>
    %dma_wait3A_72 = tpu.memref_slice %arg4[%add3A_67] : memref<557056xf32, #tpu.memory_space<hbm>> -> memref<8704xf32, #tpu.memory_space<hbm>>
    tpu.wait_dma2 semaphore(%arg12 : memref<!tpu.dma_semaphore, #tpu.memory_space<semaphore_mem>>) src(%dma_wait3A_72 : memref<8704xf32, #tpu.memory_space<hbm>>) dst(%arg9 : memref<8704xf32, #tpu.memory_space<vmem>>)
    %scan3A = arith.constant 0 : i32
    %scan3A_73 = arith.constant 68 : i32
    %scan3A_74 = arith.addi %scan3A, %scan3A_73 : i32
    %scan3A_75 = arith.constant 1 : i32
    scf.for %scan3A_79 = %scan3A to %scan3A_74 step %scan3A_75  : i32 {
      %mul3A_80 = arith.constant 128 : i32
      %mul3A_81 = arith.muli %scan3A_79, %mul3A_80 : i32
      %add3A_82 = arith.constant 0 : i32
      %add3A_83 = arith.addi %add3A_82, %mul3A_81 : i32
      %add3A_84 = arith.constant 0 : i32
      %add3A_85 = arith.addi %add3A_83, %add3A_84 : i32
      %get3A_86 = arith.index_cast %add3A_85 : i32 to index
      %get3A_87 = tpu.vector_load %arg8[%get3A_86] {strides = array<i32>} : memref<8704xf32, #tpu.memory_space<vmem>>, vector<16xf32>,
      %mul3A_88 = arith.mulf %get3A_54, %get3A_87 : vector<16xf32>
      %get3A_89 = arith.index_cast %add3A_85 : i32 to index
      %get3A_90 = tpu.vector_load %arg9[%get3A_89] {strides = array<i32>} : memref<8704xf32, #tpu.memory_space<vmem>>, vector<16xf32>,
      %mul3A_91 = arith.mulf %get3A_56, %get3A_90 : vector<16xf32>
      %add3A_92 = arith.addf %mul3A_88, %mul3A_91 : vector<16xf32>
      %swap3A = arith.index_cast %add3A_85 : i32 to index
      %swap3A_93 = tpu.vector_load %arg10[%swap3A] {strides = array<i32>} : memref<8704xf32, #tpu.memory_space<vmem>>, vector<16xf32>,
      tpu.vector_store %arg10[%swap3A], %add3A_92 {strides = array<i32>} : memref<8704xf32, #tpu.memory_space<vmem>>, vector<16xf32>,
      %add3A_94 = arith.constant 16 : i32
      %add3A_95 = arith.addi %add3A_83, %add3A_94 : i32
      %get3A_96 = arith.index_cast %add3A_95 : i32 to index
      %get3A_97 = tpu.vector_load %arg8[%get3A_96] {strides = array<i32>} : memref<8704xf32, #tpu.memory_space<vmem>>, vector<16xf32>,
      %mul3A_98 = arith.mulf %get3A_54, %get3A_97 : vector<16xf32>
      %get3A_99 = arith.index_cast %add3A_95 : i32 to index
      %get3A_100 = tpu.vector_load %arg9[%get3A_99] {strides = array<i32>} : memref<8704xf32, #tpu.memory_space<vmem>>, vector<16xf32>,
      %mul3A_101 = arith.mulf %get3A_56, %get3A_100 : vector<16xf32>
      %add3A_102 = arith.addf %mul3A_98, %mul3A_101 : vector<16xf32>
      %swap3A_103 = arith.index_cast %add3A_95 : i32 to index
      %swap3A_104 = tpu.vector_load %arg10[%swap3A_103] {strides = array<i32>} : memref<8704xf32, #tpu.memory_space<vmem>>, vector<16xf32>,
      tpu.vector_store %arg10[%swap3A_103], %add3A_102 {strides = array<i32>} : memref<8704xf32, #tpu.memory_space<vmem>>, vector<16xf32>,
      %add3A_105 = arith.constant 32 : i32
      %add3A_106 = arith.addi %add3A_83, %add3A_105 : i32
      %get3A_107 = arith.index_cast %add3A_106 : i32 to index
      %get3A_108 = tpu.vector_load %arg8[%get3A_107] {strides = array<i32>} : memref<8704xf32, #tpu.memory_space<vmem>>, vector<16xf32>,
      %mul3A_109 = arith.mulf %get3A_54, %get3A_108 : vector<16xf32>
      %get3A_110 = arith.index_cast %add3A_106 : i32 to index
      %get3A_111 = tpu.vector_load %arg9[%get3A_110] {strides = array<i32>} : memref<8704xf32, #tpu.memory_space<vmem>>, vector<16xf32>,
      %mul3A_112 = arith.mulf %get3A_56, %get3A_111 : vector<16xf32>
      %add3A_113 = arith.addf %mul3A_109, %mul3A_112 : vector<16xf32>
      %swap3A_114 = arith.index_cast %add3A_106 : i32 to index
      %swap3A_115 = tpu.vector_load %arg10[%swap3A_114] {strides = array<i32>} : memref<8704xf32, #tpu.memory_space<vmem>>, vector<16xf32>,
      tpu.vector_store %arg10[%swap3A_114], %add3A_113 {strides = array<i32>} : memref<8704xf32, #tpu.memory_space<vmem>>, vector<16xf32>,
      %add3A_116 = arith.constant 48 : i32
      %add3A_117 = arith.addi %add3A_83, %add3A_116 : i32
      %get3A_118 = arith.index_cast %add3A_117 : i32 to index
      %get3A_119 = tpu.vector_load %arg8[%get3A_118] {strides = array<i32>} : memref<8704xf32, #tpu.memory_space<vmem>>, vector<16xf32>,
      %mul3A_120 = arith.mulf %get3A_54, %get3A_119 : vector<16xf32>
      %get3A_121 = arith.index_cast %add3A_117 : i32 to index
      %get3A_122 = tpu.vector_load %arg9[%get3A_121] {strides = array<i32>} : memref<8704xf32, #tpu.memory_space<vmem>>, vector<16xf32>,
      %mul3A_123 = arith.mulf %get3A_56, %get3A_122 : vector<16xf32>
      %add3A_124 = arith.addf %mul3A_120, %mul3A_123 : vector<16xf32>
      %swap3A_125 = arith.index_cast %add3A_117 : i32 to index
      %swap3A_126 = tpu.vector_load %arg10[%swap3A_125] {strides = array<i32>} : memref<8704xf32, #tpu.memory_space<vmem>>, vector<16xf32>,
      tpu.vector_store %arg10[%swap3A_125], %add3A_124 {strides = array<i32>} : memref<8704xf32, #tpu.memory_space<vmem>>, vector<16xf32>,
      %add3A_127 = arith.constant 64 : i32
      %add3A_128 = arith.addi %add3A_83, %add3A_127 : i32
      %get3A_129 = arith.index_cast %add3A_128 : i32 to index
      %get3A_130 = tpu.vector_load %arg8[%get3A_129] {strides = array<i32>} : memref<8704xf32, #tpu.memory_space<vmem>>, vector<16xf32>,
      %mul3A_131 = arith.mulf %get3A_54, %get3A_130 : vector<16xf32>
      %get3A_132 = arith.index_cast %add3A_128 : i32 to index
      %get3A_133 = tpu.vector_load %arg9[%get3A_132] {strides = array<i32>} : memref<8704xf32, #tpu.memory_space<vmem>>, vector<16xf32>,
      %mul3A_134 = arith.mulf %get3A_56, %get3A_133 : vector<16xf32>
      %add3A_135 = arith.addf %mul3A_131, %mul3A_134 : vector<16xf32>
      %swap3A_136 = arith.index_cast %add3A_128 : i32 to index
      %swap3A_137 = tpu.vector_load %arg10[%swap3A_136] {strides = array<i32>} : memref<8704xf32, #tpu.memory_space<vmem>>, vector<16xf32>,
      tpu.vector_store %arg10[%swap3A_136], %add3A_135 {strides = array<i32>} : memref<8704xf32, #tpu.memory_space<vmem>>, vector<16xf32>,
      %add3A_138 = arith.constant 80 : i32
      %add3A_139 = arith.addi %add3A_83, %add3A_138 : i32
      %get3A_140 = arith.index_cast %add3A_139 : i32 to index
      %get3A_141 = tpu.vector_load %arg8[%get3A_140] {strides = array<i32>} : memref<8704xf32, #tpu.memory_space<vmem>>, vector<16xf32>,
      %mul3A_142 = arith.mulf %get3A_54, %get3A_141 : vector<16xf32>
      %get3A_143 = arith.index_cast %add3A_139 : i32 to index
      %get3A_144 = tpu.vector_load %arg9[%get3A_143] {strides = array<i32>} : memref<8704xf32, #tpu.memory_space<vmem>>, vector<16xf32>,
      %mul3A_145 = arith.mulf %get3A_56, %get3A_144 : vector<16xf32>
      %add3A_146 = arith.addf %mul3A_142, %mul3A_145 : vector<16xf32>
      %swap3A_147 = arith.index_cast %add3A_139 : i32 to index
      %swap3A_148 = tpu.vector_load %arg10[%swap3A_147] {strides = array<i32>} : memref<8704xf32, #tpu.memory_space<vmem>>, vector<16xf32>,
      tpu.vector_store %arg10[%swap3A_147], %add3A_146 {strides = array<i32>} : memref<8704xf32, #tpu.memory_space<vmem>>, vector<16xf32>,
      %add3A_149 = arith.constant 96 : i32
      %add3A_150 = arith.addi %add3A_83, %add3A_149 : i32
      %get3A_151 = arith.index_cast %add3A_150 : i32 to index
      %get3A_152 = tpu.vector_load %arg8[%get3A_151] {strides = array<i32>} : memref<8704xf32, #tpu.memory_space<vmem>>, vector<16xf32>,
      %mul3A_153 = arith.mulf %get3A_54, %get3A_152 : vector<16xf32>
      %get3A_154 = arith.index_cast %add3A_150 : i32 to index
      %get3A_155 = tpu.vector_load %arg9[%get3A_154] {strides = array<i32>} : memref<8704xf32, #tpu.memory_space<vmem>>, vector<16xf32>,
      %mul3A_156 = arith.mulf %get3A_56, %get3A_155 : vector<16xf32>
      %add3A_157 = arith.addf %mul3A_153, %mul3A_156 : vector<16xf32>
      %swap3A_158 = arith.index_cast %add3A_150 : i32 to index
      %swap3A_159 = tpu.vector_load %arg10[%swap3A_158] {strides = array<i32>} : memref<8704xf32, #tpu.memory_space<vmem>>, vector<16xf32>,
      tpu.vector_store %arg10[%swap3A_158], %add3A_157 {strides = array<i32>} : memref<8704xf32, #tpu.memory_space<vmem>>, vector<16xf32>,
      %add3A_160 = arith.constant 112 : i32
      %add3A_161 = arith.addi %add3A_83, %add3A_160 : i32
      %get3A_162 = arith.index_cast %add3A_161 : i32 to index
      %get3A_163 = tpu.vector_load %arg8[%get3A_162] {strides = array<i32>} : memref<8704xf32, #tpu.memory_space<vmem>>, vector<16xf32>,
      %mul3A_164 = arith.mulf %get3A_54, %get3A_163 : vector<16xf32>
      %get3A_165 = arith.index_cast %add3A_161 : i32 to index
      %get3A_166 = tpu.vector_load %arg9[%get3A_165] {strides = array<i32>} : memref<8704xf32, #tpu.memory_space<vmem>>, vector<16xf32>,
      %mul3A_167 = arith.mulf %get3A_56, %get3A_166 : vector<16xf32>
      %add3A_168 = arith.addf %mul3A_164, %mul3A_167 : vector<16xf32>
      %swap3A_169 = arith.index_cast %add3A_161 : i32 to index
      %swap3A_170 = tpu.vector_load %arg10[%swap3A_169] {strides = array<i32>} : memref<8704xf32, #tpu.memory_space<vmem>>, vector<16xf32>,
      tpu.vector_store %arg10[%swap3A_169], %add3A_168 {strides = array<i32>} : memref<8704xf32, #tpu.memory_space<vmem>>, vector<16xf32>,
    }
    %scan3A_76 = arith.constant 68 : i32
    %mul3A_77 = arith.constant 8704 : i32
    %mul3A_78 = arith.muli %add3A, %mul3A_77 : i32
    "tpu.region"() ({
      %run_scoped3A = tpu.sem_alloc : memref<!tpu.dma_semaphore, #tpu.memory_space<semaphore_mem>>
      %dma_start3A_79 = tpu.memref_slice %arg5[%mul3A_78] : memref<278528xf32, #tpu.memory_space<hbm>> -> memref<8704xf32, #tpu.memory_space<hbm>>
      %dma_start3A_80 = tpu.memref_slice %arg5[%mul3A_78] : memref<278528xf32, #tpu.memory_space<hbm>> -> memref<8704xf32, #tpu.memory_space<hbm>>
      tpu.enqueue_dma source(%arg10 : memref<8704xf32, #tpu.memory_space<vmem>>) target(%dma_start3A_80 : memref<8704xf32, #tpu.memory_space<hbm>>) target_semaphore(%run_scoped3A : memref<!tpu.dma_semaphore, #tpu.memory_space<semaphore_mem>>)
      %dma_wait3A_81 = tpu.memref_slice %arg5[%mul3A_78] : memref<278528xf32, #tpu.memory_space<hbm>> -> memref<8704xf32, #tpu.memory_space<hbm>>
      %dma_wait3A_82 = tpu.memref_slice %arg5[%mul3A_78] : memref<278528xf32, #tpu.memory_space<hbm>> -> memref<8704xf32, #tpu.memory_space<hbm>>
      tpu.wait_dma2 semaphore(%run_scoped3A : memref<!tpu.dma_semaphore, #tpu.memory_space<semaphore_mem>>) src(%arg10 : memref<8704xf32, #tpu.memory_space<vmem>>) dst(%dma_wait3A_82 : memref<8704xf32, #tpu.memory_space<hbm>>)
      tpu.yield
    }) : () -> ()
    return
  }
}

module attributes {stable_mosaic.version = 14 : i64} {
  func.func @_tc_body(%arg0: i32, %arg1: i32, %arg2: memref<1x512x1024xf32, #tpu.memory_space<vmem>>, %arg3: memref<1024x3072xbf16, #tpu.memory_space<vmem>>, %arg4: memref<1x1024x32xf32, #tpu.memory_space<vmem>>, %arg5: memref<1x32x3072xf32, #tpu.memory_space<vmem>>, %arg6: memref<1x1x3072xf32, #tpu.memory_space<vmem>>, %arg7: memref<1x512x3072xf32, #tpu.memory_space<vmem>>, %arg8: memref<1024x3072xbf16, #tpu.memory_space<vmem>>) attributes {dimension_semantics = [#tpu.dimension_semantics<parallel>, #tpu.dimension_semantics<arbitrary>], iteration_bounds = array<i64: 4, 4>, scalar_prefetch = 0 : i64, scratch_operands = 1 : i64, tpu.core_type = #tpu.core_type<tc>, window_params = [{transform_indices = @transform_0, window_bounds = array<i64: 1, 512, 1024>}, {pipeline_mode = #tpu.pipeline_mode<synchronous>, transform_indices = @transform_1, window_bounds = array<i64: 1024, 3072>}, {transform_indices = @transform_2, window_bounds = array<i64: 1, 1024, 32>}, {transform_indices = @transform_3, window_bounds = array<i64: 1, 32, 3072>}, {transform_indices = @transform_4, window_bounds = array<i64: 1, 1, 3072>}, {transform_indices = @transform_5, window_bounds = array<i64: 1, 512, 3072>}]} {
    %eq3A = arith.constant 0 : i32
    %eq3A_0 = arith.cmpi eq, %arg1, %eq3A : i32
    %convert_element_type3A = arith.extui %eq3A_0 : i1 to i32
    %cond3A = arith.constant 0 : i32
    %cond3A_1 = arith.cmpi ne, %convert_element_type3A, %cond3A : i32
    scf.if %cond3A_1 {
      %get3A_22 = arith.constant 0 : index
      %get3A_23 = arith.constant 0 : index
      %get3A_24 = arith.constant 0 : index
      %get3A_25 = vector.load %arg4[%get3A_22, %get3A_23, %get3A_24] : memref<1x1024x32xf32, #tpu.memory_space<vmem>>, vector<1x1024x32xf32>
      %get3A_26 = vector.shape_cast %get3A_25 : vector<1x1024x32xf32> to vector<1024x32xf32>
      %convert_element_type3A_27 = arith.truncf %get3A_26 : vector<1024x32xf32> to vector<1024x32xbf16>
      %get3A_28 = arith.constant 0 : index
      %get3A_29 = arith.constant 0 : index
      %get3A_30 = arith.constant 0 : index
      %get3A_31 = vector.load %arg5[%get3A_28, %get3A_29, %get3A_30] : memref<1x32x3072xf32, #tpu.memory_space<vmem>>, vector<1x32x3072xf32>
      %get3A_32 = vector.shape_cast %get3A_31 : vector<1x32x3072xf32> to vector<32x3072xf32>
      %convert_element_type3A_33 = arith.truncf %get3A_32 : vector<32x3072xf32> to vector<32x3072xbf16>
      %dot_general3A_34 = arith.constant dense<0.000000e+00> : vector<1024x3072xf32>
      %dot_general3A_35 = tpu.matmul %convert_element_type3A_27, %convert_element_type3A_33, %dot_general3A_34 {dimension_numbers = #tpu.dot_dimension_numbers<[1], [0], [0], [1], [0, 0, 1, 1], [], []>, transpose_lhs_hint = false} : vector<1024x32xbf16>, vector<32x3072xbf16>, vector<1024x3072xf32> -> vector<1024x3072xf32>
      %get3A_36 = arith.constant 0 : index
      %get3A_37 = arith.constant 0 : index
      %get3A_38 = vector.load %arg3[%get3A_36, %get3A_37] : memref<1024x3072xbf16, #tpu.memory_space<vmem>>, vector<1024x3072xbf16>
      %convert_element_type3A_39 = arith.extf %get3A_38 : vector<1024x3072xbf16> to vector<1024x3072xf32>
      %add3A_40 = arith.addf %convert_element_type3A_39, %dot_general3A_35 : vector<1024x3072xf32>
      %convert_element_type3A_41 = arith.truncf %add3A_40 : vector<1024x3072xf32> to vector<1024x3072xbf16>
      %swap3A_42 = arith.constant 0 : index
      %swap3A_43 = arith.constant 0 : index
      %swap3A_44 = vector.load %arg8[%swap3A_42, %swap3A_43] : memref<1024x3072xbf16, #tpu.memory_space<vmem>>, vector<1024x3072xbf16>
      tpu.vector_store %arg8[%swap3A_42, %swap3A_43], %convert_element_type3A_41 {strides = array<i32>} : memref<1024x3072xbf16, #tpu.memory_space<vmem>>, vector<1024x3072xbf16>,
    } else {
    }
    %get3A = arith.constant 0 : index
    %get3A_2 = arith.constant 0 : index
    %get3A_3 = arith.constant 0 : index
    %get3A_4 = vector.load %arg2[%get3A, %get3A_2, %get3A_3] : memref<1x512x1024xf32, #tpu.memory_space<vmem>>, vector<1x512x1024xf32>
    %get3A_5 = vector.shape_cast %get3A_4 : vector<1x512x1024xf32> to vector<512x1024xf32>
    %convert_element_type3A_6 = arith.truncf %get3A_5 : vector<512x1024xf32> to vector<512x1024xbf16>
    %get3A_7 = arith.constant 0 : index
    %get3A_8 = arith.constant 0 : index
    %get3A_9 = vector.load %arg8[%get3A_7, %get3A_8] : memref<1024x3072xbf16, #tpu.memory_space<vmem>>, vector<1024x3072xbf16>
    %dot_general3A = arith.constant dense<0.000000e+00> : vector<512x3072xf32>
    %dot_general3A_10 = tpu.matmul %convert_element_type3A_6, %get3A_9, %dot_general3A {dimension_numbers = #tpu.dot_dimension_numbers<[1], [0], [0], [1], [0, 0, 1, 1], [], []>, transpose_lhs_hint = false} : vector<512x1024xbf16>, vector<1024x3072xbf16>, vector<512x3072xf32> -> vector<512x3072xf32>
    %get3A_11 = arith.constant 0 : index
    %get3A_12 = arith.constant 0 : index
    %get3A_13 = arith.constant 0 : index
    %get3A_14 = vector.load %arg6[%get3A_11, %get3A_12, %get3A_13] : memref<1x1x3072xf32, #tpu.memory_space<vmem>>, vector<1x1x3072xf32>
    %get3A_15 = vector.shape_cast %get3A_14 : vector<1x1x3072xf32> to vector<1x3072xf32>
    %add3A = vector.broadcast %get3A_15 : vector<1x3072xf32> to vector<512x3072xf32>
    %add3A_16 = arith.addf %dot_general3A_10, %add3A : vector<512x3072xf32>
    %swap3A = arith.constant 0 : index
    %swap3A_17 = arith.constant 0 : index
    %swap3A_18 = arith.constant 0 : index
    %swap3A_19 = vector.load %arg7[%swap3A, %swap3A_17, %swap3A_18] : memref<1x512x3072xf32, #tpu.memory_space<vmem>>, vector<1x512x3072xf32>
    %swap3A_20 = vector.shape_cast %swap3A_19 : vector<1x512x3072xf32> to vector<512x3072xf32>
    %swap3A_21 = vector.shape_cast %add3A_16 : vector<512x3072xf32> to vector<1x512x3072xf32>
    tpu.vector_store %arg7[%swap3A, %swap3A_17, %swap3A_18], %swap3A_21 {strides = array<i32>} : memref<1x512x3072xf32, #tpu.memory_space<vmem>>, vector<1x512x3072xf32>,
    return
  }
  func.func @transform_0(%arg0: i32, %arg1: i32) -> (i32, i32, i32) {
    %c0_i32 = arith.constant 0 : i32
    %c0_i32_0 = arith.constant 0 : i32
    return %arg0, %arg1, %c0_i32 : i32, i32, i32
  }
  func.func @transform_1(%arg0: i32, %arg1: i32) -> (i32, i32) {
    %c0_i32 = arith.constant 0 : i32
    %c0_i32_0 = arith.constant 0 : i32
    %c0_i32_1 = arith.constant 0 : i32
    return %c0_i32, %c0_i32_0 : i32, i32
  }
  func.func @transform_2(%arg0: i32, %arg1: i32) -> (i32, i32, i32) {
    %c0_i32 = arith.constant 0 : i32
    %c0_i32_0 = arith.constant 0 : i32
    %c0_i32_1 = arith.constant 0 : i32
    return %arg0, %c0_i32, %c0_i32_0 : i32, i32, i32
  }
  func.func @transform_3(%arg0: i32, %arg1: i32) -> (i32, i32, i32) {
    %c0_i32 = arith.constant 0 : i32
    %c0_i32_0 = arith.constant 0 : i32
    %c0_i32_1 = arith.constant 0 : i32
    return %arg0, %c0_i32, %c0_i32_0 : i32, i32, i32
  }
  func.func @transform_4(%arg0: i32, %arg1: i32) -> (i32, i32, i32) {
    %c0_i32 = arith.constant 0 : i32
    %c0_i32_0 = arith.constant 0 : i32
    %c0_i32_1 = arith.constant 0 : i32
    return %arg0, %c0_i32, %c0_i32_0 : i32, i32, i32
  }
  func.func @transform_5(%arg0: i32, %arg1: i32) -> (i32, i32, i32) {
    %c0_i32 = arith.constant 0 : i32
    %c0_i32_0 = arith.constant 0 : i32
    return %arg0, %arg1, %c0_i32 : i32, i32, i32
  }
}

</mosaic_0001>

<sc_bundles>
// kernel: kernel.4.cloned.1.call-start
scs
__scs_entry_jumppad:
0x0: {  	(pc) =	sbr.rel $0x88, $3  }
0x1: {  	(tag) =	ssettag $0x0;
	lr =	simm.s32 $0x1  }
0x2: {  	[smem:$0x3F97] =	sst lr;
	_ =	strace $0xD0000000  }
0x3: {  	_ = 	snop  }
0x4: {  	_ = 	snop  }
0x5: {  	_ = 	snop  }
0x6: {  	_ = 	snop  }
0x7: {  	_ = 	snop  }
__scs_overlays_trampoline_lowered:
0x8: {  	[smem:$0x3FA6] =	sst s0  }
0x9: {  	[smem:$0x3FA7] =	sst s1  }
0xa: {  	[smem:$0x3FA8] =	sst s2  }
0xb: {  	[smem:$0x3FA9] =	sst s3  }
0xc: {  	[smem:$0x3FAA] =	sst s4  }
0xd: {  	[smem:$0x3FAB] =	sst s5  }
0xe: {  	[smem:$0x3FAC] =	sst s6  }
0xf: {  	[smem:$0x3FAD] =	sst s7  }
0x10: {  	[smem:$0x3FAE] =	sst s8  }
0x11: {  	[smem:$0x3FAF] =	sst s9;
	s0 =	simm.s32 @!p0 $0x0  }
0x12: {  	s1 =	sld [smem:$0x3F95];
	s0 =	simm.s32 @p0 $0x1  }
0x13: {  	[smem:$0x3FB0] =	sst s0;
	s0 =	simm.s32 @!p1 $0x0  }
0x14: {  	s2 =	sld [smem:$0x3F94];
	s0 =	simm.s32 @p1 $0x1  }
0x15: {  	[smem:$0x3FB1] =	sst s0;
	s0 =	simm.s32 @!p2 $0x0  }
0x16: {  	s3 =	sld [smem:$0x3FDB];
	s0 =	simm.s32 @p2 $0x1  }
0x17: {  	s4 =	simm.s32 $0x1BF5;
	[smem:$0x3FB3] =	sst s0  }
0x18: {  	s0 =	sld [smem:$0x3F96];
	_ =	swait.ge [sflag:s4], $0x0  }
0x19: {  	s7 =	sld [smem:$0x3F97]  }
0x1a: {  	s8 =	sadd.s32 $0xFFFFE003, lr  }
0x1b: {  	s9 =	sadd.s32 $0xFFFFFEF7, lr;
	s5 =	simm.s32 $0xFFFFFFFF;
	p2 =	slt.u32 s8, $0xFFFFF086  }
0x1c: {  	p1 =	slt.u32 s9, $0xF7A;
	s5 =	simm.s32 @!p2 $0x0  }
0x1d: {  	s5 =	simm.s32 @p1 $0x1;
	p0 =	seq.s32 s7, s2  }
0x1e: {  	s7 =	smul.u32 @!p0 $0xF7A, s2;
	p2 =	seq.s32 @!p0 s5, $0x0  }
0x1f: {  	s9 =	smul.u32 $0xF7A, s1;
	s8 =	simm.s32 @!p0 $0x1BF5;
	p2 =	por !p2, p0  }
0x20: {  	[sflag:s8] =	ssyncset.s32 @!p0 $0xFFFFF086;
	s6 =	sadd.s32 @!p0 s3, s7;
	s7 =	simm.s32 @!p0 $0x108  }
0x21: {  	s3 =	sadd.s32 s3, s9;
	s6 =	sadd.s32 @!p0 $0x88, s6;
	s7 =	simm.s32 @p2 $0x1082  }
0x22: {  	[simem:s7], [sflag:s8] =	dma.local @!p0 [hbm:s6], $0xF7A  }
0x23: {  	s9 =	sor.u32 $0xD0000000, s2;
	s6 =	simm.s32 $0x108;
	_ =	swait.ge @!p0 [sflag:s8], $0x0  }
0x24: {  	s3 =	sadd.s32 $0x88, s3;
	s6 =	simm.s32 @!p1 $0x1082;
	[sflag:s4] =	ssyncset.s32 $0xFFFFF086  }
0x25: {  	[simem:s6], [sflag:s4] =	dma.local [hbm:s3], $0xF7A  }
0x26: {  	[smem:$0x3F97] =	sst s1;
	(tag) =	ssettag s2;
	_ =	strace s9  }
0x27: {  	s1 =	sld [smem:$0x3FA7]  }
0x28: {  	s2 =	sld [smem:$0x3FA8]  }
0x29: {  	s4 =	sld [smem:$0x3FAA]  }
0x2a: {  	p0 =	seq.s32 s5, $0x0;
	s5 =	sld [smem:$0x3FAB]  }
0x2b: {  	s6 =	sld [smem:$0x3FAC]  }
0x2c: {  	s7 =	sld [smem:$0x3FAD]  }
0x2d: {  	s3 =	simm.s32 $0x108;
	s8 =	sld [smem:$0x3FAE]  }
0x2e: {  	s3 =	simm.s32 @!p0 $0x1082;
	s9 =	sld [smem:$0x3FAF]  }
0x2f: {  	lr =	sadd.s32 s0, s3;
	s0 =	sld [smem:$0x3FA6]  }
0x30: {  	s3 =	sld [smem:$0x3FA9]  }
0x31: {  	[smem:$0x3FB2] =	sst s10  }
0x32: {  	s10 =	sld [smem:$0x3FB0];
	_ =	sdelay $0x3  }
0x33: {  	p0 =	seq.s32 s10, $0x1;
	s10 =	sld [smem:$0x3FB2];
	_ =	sdelay $0x3  }
0x34: {  	[smem:$0x3FB2] =	sst s10  }
0x35: {  	s10 =	sld [smem:$0x3FB1];
	_ =	sdelay $0x3  }
0x36: {  	p1 =	seq.s32 s10, $0x1;
	s10 =	sld [smem:$0x3FB2];
	_ =	sdelay $0x3  }
0x37: {  	[smem:$0x3FB2] =	sst s10  }
0x38: {  	s10 =	sld [smem:$0x3FB3]  }
0x39: {  	_ = 	snop;
	(pc) =	sbr.ind lr, $3  }
0x3a: {  	_ = 	snop  }
0x3b: {  	_ = 	snop  }
0x3c: {  	p2 =	seq.s32 s10, $0x1;
	s10 =	sld [smem:$0x3FB2]  }
0x3d: {  	_ =	shalt  }
0x3e: {  	_ =	shalt  }
0x3f: {  	_ =	shalt  }
0x40: {  	_ =	shalt  }
0x41: {  	_ =	shalt  }
0x42: {  	_ =	shalt  }
0x43: {  	_ =	shalt  }
0x44: {  	_ =	shalt  }
0x45: {  	_ =	shalt  }
0x46: {  	_ =	shalt  }
0x47: {  	_ =	shalt  }
0x48: {  	_ =	shalt  }
0x49: {  	_ =	shalt  }
0x4a: {  	_ =	shalt  }
0x4b: {  	_ =	shalt  }
0x4c: {  	_ =	shalt  }
0x4d: {  	_ =	shalt  }
0x4e: {  	_ =	shalt  }
0x4f: {  	_ =	shalt  }
0x50: {  	_ =	shalt  }
0x51: {  	_ =	shalt  }
0x52: {  	_ =	shalt  }
0x53: {  	_ =	shalt  }
0x54: {  	_ =	shalt  }
0x55: {  	_ =	shalt  }
0x56: {  	_ =	shalt  }
0x57: {  	_ =	shalt  }
0x58: {  	_ =	shalt  }
0x59: {  	_ =	shalt  }
0x5a: {  	_ =	shalt  }
0x5b: {  	_ =	shalt  }
0x5c: {  	_ =	shalt  }
0x5d: {  	_ =	shalt  }
0x5e: {  	_ =	shalt  }
0x5f: {  	_ =	shalt  }
0x60: {  	_ =	shalt  }
0x61: {  	_ =	shalt  }
0x62: {  	_ =	shalt  }
0x63: {  	_ =	shalt  }
0x64: {  	_ =	shalt  }
0x65: {  	_ =	shalt  }
0x66: {  	_ =	shalt  }
0x67: {  	_ =	shalt  }
0x68: {  	_ =	shalt  }
0x69: {  	_ =	shalt  }
0x6a: {  	_ =	shalt  }
0x6b: {  	_ =	shalt  }
0x6c: {  	_ =	shalt  }
0x6d: {  	_ =	shalt  }
0x6e: {  	_ =	shalt  }
0x6f: {  	_ =	shalt  }
0x70: {  	_ =	shalt  }
0x71: {  	_ =	shalt  }
0x72: {  	_ =	shalt  }
0x73: {  	_ =	shalt  }
0x74: {  	_ =	shalt  }
0x75: {  	_ =	shalt  }
0x76: {  	_ =	shalt  }
0x77: {  	_ =	shalt  }
0x78: {  	_ =	shalt  }
0x79: {  	_ =	shalt  }
0x7a: {  	_ =	shalt  }
0x7b: {  	_ =	shalt  }
0x7c: {  	_ =	shalt  }
0x7d: {  	_ =	shalt  }
0x7e: {  	_ =	shalt  }
0x7f: {  	_ =	shalt  }
0x80: {  	_ =	shalt  }
0x81: {  	_ =	shalt  }
0x82: {  	_ =	shalt  }
0x83: {  	_ =	shalt  }
0x84: {  	_ =	shalt  }
0x85: {  	_ =	shalt  }
0x86: {  	_ =	shalt  }
0x87: {  	_ =	shalt  }
.Lfunc_end0:
.L_simem_size_0:
called_computation_lowered:
.L_overlay_start_0:
0x88: {  	s2 =	sld [smem:$0x3FD9]  }
0x89: {  	s3 =	sld [smem:$0x3FFE];
	_ =	sdelay $0x1  }
0x8a: {  	s1 =	srdreg.scid  }
0x8b: {  	s0 =	sand.u32 $0x1, s1  }
0x8c: {  	s17 =	sshll.u32 s0, $0xA;
	s2 =	sadd.s32 s3, s2  }
0x8d: {  	s2 =	sadd.s32 s2, s17  }
0x8e: {  	[smem:$0x3FBE] =	sst s2  }
0x8f: {  	_ = 	snop  }
0x90: {  	s2 =	sld [smem:$0x3FD0];
	(tm) =	ssettm $0x1  }
0x91: {  	s18 =	sld [smem:$0x3FFB];
	_ =	sdelay $0x3  }
0x92: {  	_ =	strace s18  }
0x93: {  	s3 =	sld [smem:$0x3FFC];
	_ =	sdelay $0x3  }
0x94: {  	_ =	strace s3  }
0x95: {  	s3 =	sld [smem:$0x3FFD];
	_ =	sdelay $0x3  }
0x96: {  	_ =	strace s3  }
0x97: {  	_ =	strace $0x8FFFFFFF  }
0x98: {  	s19 =	sld [smem:$0x3FDB];
	_ =	sdelay $0x1  }
0x99: {  	s4 =	simm.s32 $_scs_section_size  }
0x9a: {  	s5 =	simm.s32 $_size__tile_overlayer_lowered;
	s6 =	simm.s32 $_tile_overlayer_lowered  }
0x9b: {  	s22 =	simm.s32 $0x1BFF;
	s21 =	sshll.u32 s6, $0x1;
	s3 =	sadd.s32 s4, s19  }
0x9c: {  	s7 =	simm.s32 $0x0;
	s20 =	sshll.u32 s5, $0x1;
	s5 =	sadd.s32 s21, s3  }
0x9d: {  	[timem:s7], [sflag:s22] =	dma.local [hbm:s5], s20  }
0x9e: {  	_ =	swait.ge [sflag:s22], s20  }
0x9f: {  	s4 =	ssub.s32 $0x0, s20;
	[sflag:s22] =	ssyncset.done $0x0  }
0xa0: {  	[sflag:s22] =	ssyncadd.s32 s4;
	_ =	sdelay $0x1  }
0xa1: {  	s23 =	simm.s32 $0x1B8B  }
0xa2: {  	_ =	swait.ge [sflag:s23], $0x1  }
0xa3: {  	[sflag:s23] =	ssyncset.done $0x0  }
0xa4: {  	s25 =	simm.s32 $0x1B8E;
	s24 =	sld [smem:$0x3FFE];
	[sflag:s23] =	ssyncadd.s32 $0xFFFFFFFF  }
0xa5: {  	s26 =	simm.s32 $execute0_lowered;
	[smem:$0x3FD2] =	sst s25  }
0xa6: {  	s5 =	sshll.u32 s26, $0x1;
	_ =	strace $0x80000046;
	[dreg:$0x1] =	wrdreg $0xFFFFFFFF  }
0xa7: {  	s28 =	simm.s32 $_size_execute0_lowered;
	s3 =	sadd.s32 s3, s5;
	[dreg:$0x0] =	wrdreg $0x0  }
0xa8: {  	s5 =	sshll.u32 s28, $0x1;
	[dreg:$0x2] =	wrdreg s3  }
0xa9: {  	[dreg:$0x3] =	wrdreg s5  }
0xaa: {  	[dreg:$0x4] =	wrdreg $0xC0  }
0xab: {  	_ =	task [dreg:s7], $0x5FFFF  }
0xac: {  	[dreg:$0x1] =	wrdreg $0xFFFFFFFF  }
0xad: {  	[dreg:$0x0] =	wrdreg $0x60  }
0xae: {  	[dreg:$0x2] =	wrdreg s24  }
0xaf: {  	[dreg:$0x3] =	wrdreg s2  }
0xb0: {  	[dreg:$0x4] =	wrdreg $0x9  }
0xb1: {  	_ =	task.clear_ibuf [dreg:s7], $0x5FFFF;
	_ =	strace $0x90000046  }
0xb2: {  	s29 =	simm.s32 $0x9;
	_ =	strace $0x80000048  }
0xb3: {  	_ =	swait.ge [sflag:s29], $0x1  }
0xb4: {  	[sflag:s29] =	ssyncadd.s32 $0xFFFFFFFF  }
0xb5: {  	_ =	strace $0x90000048  }
0xb6: {  	_ =	sfence  }
0xb7: {  	s30 =	sld [smem:$0x0];
	_ =	sdelay $0x2  }
0xb8: {  	s31 =	sshll.u32 s1, $0xD;
	s1 =	sshrl.u32 s1, $0x2  }
0xb9: {  	s3 =	sand.u32 $0x4000, s31;
	s1 =	sadd.s32 s1, s30  }
0xba: {  	s0 =	sor.u32 s3, s0;
	s1 =	sshll.u32 s1, $0x11  }
0xbb: {  	s0 =	sor.u32 s1, s0  }
0xbc: {  	s0 =	sadd.s32 $0x8F2B, s0  }
0xbd: {  	[sflag:s0] =	ssyncadd.remote.s32 $0x1  }
0xbe: {  	_ =	sfence.sel $0xFFFF  }
0xbf: {  	[dreg:$0x0] =	wrdreg $0xFFFFFFFF;
	(pc) =	sbr.abs _section_cstart, $3  }
0xc0: {  	[dreg:$0x1] =	wrdreg $0xFFFFFFFF  }
0xc1: {  	_ =	task.clear_ibuf [dreg:s7], $0x2FFFF;
	_ =	strace $0x9FFFFFFF  }
0xc2: {  	(tm) =	ssettm $0x7FFFFFFF  }
0xc3: {  	_ =	shalt  }
tec
execute0_lowered:
.L_overlay_start_1:
0x0: {  	(tag) =	ssettag $0x1  }
0x1: {  	s0 =	srdreg.scid;
	s5 =	rddreg [dreg:$0x0]  }
0x2: {  	s2 =	rddreg [dreg:$0x1];
	s3 =	simm.s32 $0x0;
	s4 =	sand.u32 $0x1, s0  }
0x3: {  	s8 =	simm.s32 $0x1;
	s0 =	stileid.u32;
	s1 =	sshll.u32 s4, $0x4  }
0x4: {  	s12 =	simm.s32 $0x100;
	s7 =	sand.u32 $0x7, s0;
	s6 =	sor.u32 s0, s1  }
0x5: {  	s13 =	simm.s32 $0x2300;
	p1 =	sne.s32 s7, $0x0;
	p0 =	seq.s32 s6, $0x0  }
0x6: {  	s14 =	simm.s32 $0x2;
	s15 =	simm.s32 $0x4500;
	p0 =	por !p1, !p0  }
0x7: {  	s16 =	simm.s32 $0x0;
	[smem:$0x7FF] =	sst s3;
	p0 =	por !p0, !p0  }
0x8: {  	s31 =	ssub.s32 $0x2, s4;
	s9 =	sshrl.u32 s6, $0x3;
	s8 =	simm.s32 @!p0 $0x0  }
0x9: {  	s4 =	simm.s32 $0x1;
	s1 =	rddreg [dreg:$0x2];
	s8 =	ssub.s32 s9, s8  }
0xa: {  	_ =	strace $0x80000047;
	s6 =	smul.u32 $0x440, s6;
	s8 =	sshll.u32 s8, $0x2  }
0xb: {  	s10 =	sshrl.u32 s31, $0x1;
	s7 =	smul.u32 $0x2200, s7;
	s8 =	sand.u32 $0x1FFFFFFC, s8  }
0xc: {  	s11 =	sadd.s32 s6, s5;
	s9 =	ssub.s32 s31, s10;
	s8 =	sadd.s32 s8, s5  }
0xd: {  	s10 =	simm.s32 $0x3;
	s9 =	smax.u32 s9, $0x1;
	s5 =	sadd.s32 $0x1C00, s8  }
0xe: {  	s6 =	sadd.s32 $0x1E00, s8;
	s8 =	sadd.s32 $0x2000, s11;
	s11 =	simm.s32 $0x80  }
.LBB2_1:
0xf: {  	[tilespmem:s3], [sflag:$0x3] =	stream.linear.gather [hbm4b:s5+s3], $0x20, $0x38;
	[tilespmem:$0x6700] =	vst v63  }
0x10: {  	_ =	swait.ge [sflag:s10], $0x20  }
0x11: {  	[sflag:s10] =	ssyncset.done $0x0  }
0x12: {  	[sflag:s10] =	ssyncadd.s32 $0xFFFFFFE0  }
0x13: {  	[tilespmem:s11], [sflag:$0x3] =	stream.linear.gather [hbm4b:s6+s3], $0x20, $0x38;
	[tilespmem:$0x6700] =	vst v63  }
0x14: {  	_ =	swait.ge [sflag:s10], $0x20  }
0x15: {  	[sflag:s10] =	ssyncset.done $0x0  }
0x16: {  	[sflag:s10] =	ssyncadd.s32 $0xFFFFFFE0  }
0x17: {  	v0 =	vld [tilespmem:$0x0];
	_ =	sdelay $0x1  }
0x18: {  	v1 =	vld [tilespmem:$0x10];
	_ =	sdelay $0x2  }
0x19: {  	v0 =	vxor.u32 $0x80000000, v0  }
0x1a: {  	(xrf0) =	vmax.scan.msk.u32 $0xffff, v0  }
0x1b: {  	v0 =	vxor.u32 $0x80000000, v1  }
0x1c: {  	(xrf0) =	vmax.scan.msk.u32 $0xffff, v0;
	_ =	sdelay $0x3  }
0x1d: {  	v0, _, _ =	vpop (xrf0)  }
0x1e: {  	(v2sf) =	vpush v0, $0xF  }
0x1f: {  	v0, _, _ =	vpop (xrf0)  }
0x20: {  	(v2sf) =	vpush v0, $0xF;
	_ =	sdelay $0xc  }
0x21: {  	s17 =	spop (v2sf)  }
0x22: {  	s17 =	smul.u32 $0x11000, s17  }
0x23: {  	s18 =	spop (v2sf)  }
0x24: {  	s18 =	smul.u32 $0x11000, s18;
	s17 =	sadd.s32 s7, s17  }
0x25: {  	s17 =	sshrl.u32 s17, $0x3  }
0x26: {  	v1 =	vld [tilespmem:$0x90];
	s31 =	sadd.s32 s7, s18;
	s17 =	sadd.s32 s2, s17  }
0x27: {  	v0 =	vld [tilespmem:$0x80];
	[tilespmem:s12], [sflag:$0x1] =	stream.linear.gather [hbm4b:s17+s3], $0x2200, $0x38  }
0x28: {  	s17 =	sshrl.u32 s31, $0x3  }
0x29: {  	s17 =	sadd.s32 s2, s17  }
0x2a: {  	[tilespmem:s13], [sflag:$0x2] =	stream.linear.gather [hbm4b:s17+s3], $0x2200, $0x38;
	[tilespmem:$0x6700] =	vst v63  }
0x2b: {  	_ =	swait.ge [sflag:s4], $0x2200  }
0x2c: {  	[sflag:s4] =	ssyncset.done $0x0  }
0x2d: {  	[sflag:s4] =	ssyncadd.s32 $0xFFFFDE00  }
0x2e: {  	_ =	swait.ge [sflag:s14], $0x2200  }
0x2f: {  	[sflag:s14] =	ssyncset.done $0x0  }
0x30: {  	s17 =	simm.s32 $0x0;
	[sflag:s14] =	ssyncadd.s32 $0xFFFFDE00  }
0x31: {  	v2 =	vld [tilespmem:s17+$0x170]  }
0x32: {  	v3 =	vld [tilespmem:s17+$0x2370]  }
0x33: {  	v4 =	vld [tilespmem:s17+$0x100]  }
0x34: {  	v5 =	vld [tilespmem:s17+$0x2300]  }
0x35: {  	v6 =	vld [tilespmem:s17+$0x110]  }
0x36: {  	v7 =	vld [tilespmem:s17+$0x2310]  }
0x37: {  	v8 =	vld [tilespmem:s17+$0x120]  }
0x38: {  	v9 =	vld [tilespmem:s17+$0x2320];
	v2 =	vmul.f32 v2, v0;
	v3 =	vmul.f32 v3, v1  }
0x39: {  	v10 =	vld [tilespmem:s17+$0x130]  }
0x3a: {  	v11 =	vld [tilespmem:s17+$0x2330];
	v4 =	vmul.f32 v4, v0;
	v5 =	vmul.f32 v5, v1;
	v2 =	vadd.f32 v3, v2  }
0x3b: {  	v12 =	vld [tilespmem:s17+$0x140]  }
0x3c: {  	v13 =	vld [tilespmem:s17+$0x2340];
	v3 =	vadd.f32 v5, v4;
	v4 =	vmul.f32 v7, v1;
	[tilespmem:s17+$0x4570] =	vst v2;
	v2 =	vmul.f32 v6, v0  }
0x3d: {  	v5 =	vld [tilespmem:s17+$0x150];
	v7 =	vmul.f32 v9, v1;
	v6 =	vmul.f32 v8, v0  }
0x3e: {  	[tilespmem:s17+$0x4500] =	vst v3;
	v3 =	vld [tilespmem:s17+$0x2350];
	v2 =	vadd.f32 v4, v2  }
0x3f: {  	v8 =	vmul.f32 v10, v0;
	v10 =	vmul.f32 v11, v1;
	v4 =	vld [tilespmem:s17+$0x160];
	v9 =	vadd.f32 v7, v6  }
0x40: {  	s18 =	simm.s32 $0x80;
	v6 =	vld [tilespmem:s17+$0x2360];
	[tilespmem:s17+$0x4510] =	vst v2  }
0x41: {  	s19 =	simm.s32 $0x400;
	v7 =	vmul.f32 v12, v0;
	v8 =	vadd.f32 v10, v8;
	v2 =	vld [tilespmem:s18+$0x170];
	[tilespmem:s17+$0x4520] =	vst v9;
	v9 =	vmul.f32 v13, v1  }
.LBB2_2:
0x42: {  	p0 =	sne.s32 s19, $0x8600;
	v10 =	vld [tilespmem:s18+$0x2370];
	v5 =	vmul.f32 v5, v0  }
0x43: {  	v11 =	vld [tilespmem:s18+$0x100];
	[tilespmem:s17+$0x4530] =	vst v8;
	v7 =	vadd.f32 v9, v7;
	v3 =	vmul.f32 v3, v1  }
0x44: {  	v8 =	vld [tilespmem:s18+$0x2300];
	v4 =	vmul.f32 v4, v0  }
0x45: {  	v9 =	vld [tilespmem:s18+$0x110];
	[tilespmem:s17+$0x4540] =	vst v7;
	v3 =	vadd.f32 v3, v5;
	v5 =	vmul.f32 v6, v1  }
0x46: {  	v6 =	vld [tilespmem:s18+$0x2310]  }
0x47: {  	v2 =	vmul.f32 v2, v0;
	v7 =	vld [tilespmem:s18+$0x120];
	v10 =	vmul.f32 v10, v1;
	[tilespmem:s17+$0x4550] =	vst v3;
	v3 =	vadd.f32 v5, v4  }
0x48: {  	v4 =	vmul.f32 v11, v0;
	v5 =	vld [tilespmem:s18+$0x2320]  }
0x49: {  	v8 =	vmul.f32 v8, v1;
	v11 =	vld [tilespmem:s18+$0x130];
	v2 =	vadd.f32 v10, v2;
	[tilespmem:s17+$0x4560] =	vst v3;
	s17 =	smov.u32 s18  }
0x4a: {  	v3 =	vmul.f32 v9, v0;
	v9 =	vld [tilespmem:s17+$0x2330]  }
0x4b: {  	v4 =	vadd.f32 v8, v4;
	v6 =	vmul.f32 v6, v1;
	v8 =	vld [tilespmem:s17+$0x140];
	[tilespmem:s17+$0x4570] =	vst v2  }
0x4c: {  	v2 =	vmul.f32 v7, v0;
	v10 =	vld [tilespmem:s17+$0x2340]  }
.Ltmp0:
0x4d: {  	[tilespmem:s17+$0x4500] =	vst v4;
	v4 =	vadd.f32 v6, v3;
	v6 =	vmul.f32 v5, v1;
	v5 =	vld [tilespmem:s17+$0x150];
	(pc) =	sbr.rel @p0 .LBB2_2-.Ltmp0, $4  }
0x4e: {  	v11 =	vmul.f32 v11, v0;
	v3 =	vld [tilespmem:s17+$0x2350]  }
0x4f: {  	[tilespmem:s17+$0x4510] =	vst v4;
	v12 =	vadd.f32 v6, v2;
	v9 =	vmul.f32 v9, v1;
	v4 =	vld [tilespmem:s17+$0x160]  }
0x50: {  	s18 =	sshra.s32 s19, $0x2;
	v7 =	vmul.f32 v8, v0;
	v6 =	vld [tilespmem:s17+$0x2360]  }
0x51: {  	s19 =	sadd.s32 $0x200, s19;
	v2 =	vld [tilespmem:s18+$0x170];
	[tilespmem:s17+$0x4520] =	vst v12;
	v8 =	vadd.f32 v9, v11;
	v9 =	vmul.f32 v10, v1  }
0x52: {  	v10 =	vld [tilespmem:s18+$0x2370]  }
0x53: {  	v11 =	vld [tilespmem:s18+$0x100];
	v5 =	vmul.f32 v5, v0;
	[tilespmem:s17+$0x4530] =	vst v8;
	v7 =	vadd.f32 v9, v7;
	v3 =	vmul.f32 v3, v1  }
0x54: {  	v8 =	vld [tilespmem:s18+$0x2300]  }
0x55: {  	v44 =	vld [tilespmem:s18+$0x110];
	v4 =	vmul.f32 v4, v0;
	[tilespmem:s17+$0x4540] =	vst v7;
	v3 =	vadd.f32 v3, v5;
	v6 =	vmul.f32 v6, v1  }
0x56: {  	v45 =	vld [tilespmem:s18+$0x2310]  }
0x57: {  	v7 =	vld [tilespmem:s18+$0x120];
	[tilespmem:s17+$0x4550] =	vst v3;
	v46 =	vadd.f32 v6, v4  }
0x58: {  	v47 =	vld [tilespmem:s18+$0x2320]  }
0x59: {  	v49 =	vld [tilespmem:s18+$0x130];
	[tilespmem:s17+$0x4560] =	vst v46  }
0x5a: {  	v51 =	vld [tilespmem:s18+$0x2330]  }
0x5b: {  	v52 =	vld [tilespmem:s18+$0x140]  }
0x5c: {  	v54 =	vld [tilespmem:s18+$0x2340]  }
0x5d: {  	v55 =	vld [tilespmem:s18+$0x150]  }
0x5e: {  	v2 =	vmul.f32 v2, v0;
	v48 =	vmul.f32 v10, v1;
	v56 =	vld [tilespmem:s18+$0x2350]  }
0x5f: {  	v50 =	vmul.f32 v11, v0;
	v8 =	vmul.f32 v8, v1;
	v57 =	vld [tilespmem:s18+$0x160]  }
0x60: {  	v2 =	vadd.f32 v48, v2;
	v53 =	vmul.f32 v44, v0;
	v58 =	vld [tilespmem:s18+$0x2360];
	v5 =	vmul.f32 v45, v1  }
0x61: {  	v3 =	vadd.f32 v8, v50;
	v7 =	vmul.f32 v7, v0;
	v4 =	vmul.f32 v47, v1  }
0x62: {  	[tilespmem:s18+$0x4570] =	vst v2;
	v2 =	vadd.f32 v5, v53;
	v10 =	vmul.f32 v49, v0;
	v6 =	vmul.f32 v51, v1  }
0x63: {  	[tilespmem:s18+$0x4500] =	vst v3;
	v4 =	vadd.f32 v4, v7;
	v59 =	vmul.f32 v52, v0;
	v8 =	vmul.f32 v54, v1  }
0x64: {  	[tilespmem:s18+$0x4510] =	vst v2;
	v3 =	vmul.f32 v55, v0;
	v5 =	vmul.f32 v56, v1;
	v6 =	vadd.f32 v6, v10  }
0x65: {  	v61 =	vmul.f32 v57, v0;
	v62 =	vmul.f32 v58, v1;
	[tilespmem:s18+$0x4520] =	vst v4;
	v60 =	vadd.f32 v8, v59  }
0x66: {  	v63 =	vadd.f32 v5, v3;
	[tilespmem:s18+$0x4530] =	vst v6  }
0x67: {  	s16 =	sadd.s32 $0x1, s16;
	v0 =	vadd.f32 v62, v61;
	[tilespmem:s18+$0x4540] =	vst v60  }
0x68: {  	p0 =	sne.s32 s16, s9;
	[tilespmem:s18+$0x4550] =	vst v63  }
.Ltmp1:
0x69: {  	[tilespmem:s18+$0x4560] =	vst v0;
	(pc) =	sbr.rel @p0 .LBB2_1-.Ltmp1, $4  }
0x6a: {  	[hbm4b:s8+s3] =	stream.linear.scatter [tilespmem:s15], [sflag:$0x3], $0x2200, $0x38;
	[tilespmem:$0x6700] =	vst v63  }
0x6b: {  	_ =	swait.ge [sflag:s10], $0x2200  }
0x6c: {  	[sflag:s10] =	ssyncset.done $0x0  }
0x6d: {  	[sflag:s10] =	ssyncadd.s32 $0xFFFFDE00  }
0x6e: {  	_ =	sfence.sel $0x180000  }
0x6f: {  	[bflag:$0x0] =	sbarrier.arrive $0xFFFF  }
0x70: {  	p0 =	sne.s32 s0, $0x0;
	_ =	strace $0x90000047  }
0x71: {  	s0 =	sadd.s32 @!p0 $0x100000, s1;
	[bflag:$0x2] =	sbarrier.arrive $0xFFFF  }
0x72: {  	[sflag:s0] =	ssyncadd.tile.s32 @!p0 $0x1;
	_ =	shalt  }
.Lfunc_end2:
_tile_overlayer_lowered:
.L_overlay_start_2:
0x73: {  	(tag) =	ssettag $0x2  }
0x74: {  	s0 =	rddreg [dreg:$0x0];
	s2 =	stileid.u32  }
0x75: {  	s1 =	rddreg [dreg:$0x1];
	p0 =	sne.s32 s2, $0x0  }
0x76: {  	s3 =	rddreg [dreg:$0x2];
	[bflag:$0x3] =	sbarrier.arrive $0xFFFF;
	s2 =	simm.s32 @!p0 $0x1C03  }
0x77: {  	[timem:s3], [sflag:s2] =	dma.local @!p0 [hbm:s0], s1  }
0x78: {  	s0 =	simm.s32 @!p0 $0x3  }
0x79: {  	_ =	swait.ge @!p0 [sflag:s0], s1  }
0x7a: {  	s1 =	ssub.s32 @!p0 $0x0, s1;
	[sflag:s0] =	ssyncset.done @!p0 $0x0  }
0x7b: {  	[sflag:s0] =	ssyncadd.s32 @!p0 s1  }
0x7c: {  	[bflag:$0x3] =	sbarrier.arrive $0xFFFF  }
0x7d: {  	_ =	shalt  }

</sc_bundles>
